<compile_context>
chip_gen: v7x
topology: tpu7x:2x2x1
jax: 0.10.2.dev20260603
libtpu: 0.0.44.dev20260713+nightly
codegen_flags: <defaults>
</compile_context>

<pallas_src>
import functools

import jax
import jax.numpy as jnp
from jax import lax
from jax.experimental import pallas as pl
from jax.experimental.pallas import tpu as pltpu
from jax.experimental.pallas import tpu_sc as plsc

N = 10000
E = 160000
F = 256
HALF = 128
G = 64
C = 32

NC = 2
NS = 16
CHUNK = 128
E_TILE = E // NS
NCHUNK = -(-E_TILE // CHUNK)
E_TILE_PAD = NCHUNK * CHUNK
N_PAD = 10240
ROWS_PER_TILE = N_PAD // NS


def _sc_body(xh, srcs, dsts, out, src_v, dst_v, buf0, acc, sem0):
    cid = lax.axis_index("c")
    sid = lax.axis_index("s")

    def _zero_row(r, carry):
        for k in range(HALF // 16):
            buf0[r, pl.ds(k * 16, 16)] = jnp.zeros((16,), jnp.float32)
        return carry

    lax.fori_loop(0, CHUNK, _zero_row, 0)
    for b in range(ROWS_PER_TILE // CHUNK):
        pltpu.sync_copy(buf0, acc.at[pl.ds(sid * ROWS_PER_TILE + b * CHUNK, CHUNK)])

    pltpu.sync_copy(srcs.at[cid, sid], src_v)
    pltpu.sync_copy(dsts.at[sid], dst_v)
    plsc.subcore_barrier()

    def _step(j, carry):
        pltpu.async_copy(xh.at[src_v.at[j]], buf0, sem0).wait()
        pltpu.sync_copy(buf0, acc.at[dst_v.at[j]], add=True)
        return carry

    lax.fori_loop(0, NCHUNK, _step, 0)
    plsc.subcore_barrier()

    pltpu.sync_copy(acc.at[pl.ds(sid * ROWS_PER_TILE, ROWS_PER_TILE)],
                    out.at[cid, pl.ds(sid * ROWS_PER_TILE, ROWS_PER_TILE)])


@functools.cache
def _sc_scatter():
    return pl.kernel(
        _sc_body,
        out_type=jax.ShapeDtypeStruct((NC, N_PAD, HALF), jnp.float32),
        mesh=plsc.VectorSubcoreMesh(core_axis_name="c", subcore_axis_name="s",
                                    num_cores=NC, num_subcores=NS),
        scratch_types=[
            pltpu.VMEM((NCHUNK, CHUNK), jnp.int32),
            pltpu.VMEM((NCHUNK, CHUNK), jnp.int32),
            pltpu.VMEM((CHUNK, HALF), jnp.float32),
            pltpu.VMEM_SHARED((N_PAD, HALF), jnp.float32),
            pltpu.SemaphoreType.DMA,
        ],
    )


NB = 10
BN = N // NB


def _tc_body(agg0, agg1, x, batch, wrt0, wrt1, wroott, brel, wfct, bfc,
             out, acc, cnt):
    i = pl.program_id(0)

    @pl.when(i == 0)
    def _():
        acc[...] = jnp.zeros_like(acc)
        cnt[...] = jnp.zeros_like(cnt)

    h = (jnp.dot(agg0[0], wrt0[...], preferred_element_type=jnp.float32)
         + jnp.dot(agg1[0], wrt1[...], preferred_element_type=jnp.float32)
         + jnp.dot(x[...], wroott[...], preferred_element_type=jnp.float32)
         + brel[...])
    h = jnp.where(h >= 0, h, 0.01 * h)

    b = batch[0, 0, :]
    gids = lax.broadcasted_iota(jnp.int32, (G, BN), 0)
    m = (b[None, :] == gids).astype(jnp.float32)
    acc[...] = acc[...] + jnp.dot(m, h, preferred_element_type=jnp.float32)
    cnt[...] = cnt[...] + jnp.sum(m, axis=1, keepdims=True)

    @pl.when(i == NB - 1)
    def _():
        cv = cnt[...]
        c2 = jnp.maximum(jnp.concatenate([cv, cv], axis=1), 1.0)
        pooled = acc[...] / c2
        out[...] = (jnp.dot(pooled, wfct[...], preferred_element_type=jnp.float32)
                    + bfc[...])


_tc_dense = pl.pallas_call(
    _tc_body,
    grid=(NB,),
    in_specs=[
        pl.BlockSpec((1, BN, HALF), lambda i: (0, i, 0)),
        pl.BlockSpec((1, BN, HALF), lambda i: (1, i, 0)),
        pl.BlockSpec((BN, F), lambda i: (i, 0)),
        pl.BlockSpec((1, 1, BN), lambda i: (i, 0, 0)),
        pl.BlockSpec((HALF, F), lambda i: (0, 0)),
        pl.BlockSpec((HALF, F), lambda i: (0, 0)),
        pl.BlockSpec((F, F), lambda i: (0, 0)),
        pl.BlockSpec((1, F), lambda i: (0, 0)),
        pl.BlockSpec((F, C), lambda i: (0, 0)),
        pl.BlockSpec((1, C), lambda i: (0, 0)),
    ],
    out_specs=pl.BlockSpec((G, C), lambda i: (0, 0)),
    out_shape=jax.ShapeDtypeStruct((G, C), jnp.float32),
    scratch_shapes=[
        pltpu.VMEM((G, F), jnp.float32),
        pltpu.VMEM((G, HALF), jnp.float32),
    ],
)


def kernel(x, edge_index, batch, W_rel, b_rel, W_root, W_fc, b_fc):
    src = edge_index[0].astype(jnp.int32)
    dst = edge_index[1].astype(jnp.int32)

    pad = E_TILE_PAD - E_TILE
    src_t = jnp.concatenate(
        [src.reshape(NS, E_TILE), jnp.zeros((NS, pad), jnp.int32)], axis=1)
    dst_t = jnp.concatenate(
        [dst.reshape(NS, E_TILE), jnp.full((NS, pad), N, jnp.int32)], axis=1)
    src3 = jnp.stack([2 * src_t, 2 * src_t + 1]).reshape(NC, NS, NCHUNK, CHUNK)
    dst3 = dst_t.reshape(NS, NCHUNK, CHUNK)
    xh = x.reshape(2 * N, HALF)

    agg = _sc_scatter()(xh, src3, dst3)

    batch3 = batch.astype(jnp.int32).reshape(NB, 1, BN)
    return _tc_dense(
        agg, agg, x, batch3,
        W_rel.T[:HALF].astype(jnp.float32),
        W_rel.T[HALF:].astype(jnp.float32),
        W_root.T.astype(jnp.float32),
        b_rel.reshape(1, F),
        W_fc.T.astype(jnp.float32),
        b_fc.reshape(1, C),
    )

# --- scband reference (transcript-rebuilt; emitter-appended) ---
"""Pipeline reference for scband-gcnv1-23862838296797 (READ-ONLY COPY).

The authoritative reference and input builder live on the scoring server;
editing this copy changes nothing except your own understanding.
"""

import jax, jax.numpy as jnp
import numpy as np

N = 10000
E = 160000
F_IN = 256
H = 256
C = 32
G = 64


def setup_inputs(seed: int = 0) -> dict:
    key = jax.random.key(seed)
    ks = jax.random.split(key, 8)
    x = jax.random.normal(ks[0], (N, F_IN), dtype=jnp.float32)
    edge_index = jax.random.randint(ks[1], (2, E), 0, N, dtype=jnp.int64)
    batch = jnp.sort(jax.random.randint(ks[2], (N,), 0, G, dtype=jnp.int64))
    # GraphConv params: lin_rel (with bias) applied to aggregated neighbors,
    # lin_root (no bias) applied to self features. fc: final classifier.
    W_rel = jax.random.normal(ks[3], (H, F_IN), dtype=jnp.float32) * 0.05
    b_rel = jnp.zeros((H,), dtype=jnp.float32)
    W_root = jax.random.normal(ks[4], (H, F_IN), dtype=jnp.float32) * 0.05
    W_fc = jax.random.normal(ks[5], (C, H), dtype=jnp.float32) * 0.05
    b_fc = jnp.zeros((C,), dtype=jnp.float32)
    return {"x": x, "edge_index": edge_index, "batch": batch,
            "W_rel": W_rel, "b_rel": b_rel, "W_root": W_root,
            "W_fc": W_fc, "b_fc": b_fc}


def reference(x, edge_index, batch, W_rel, b_rel, W_root, W_fc, b_fc):
    src = edge_index[0]
    dst = edge_index[1]
    # GraphConv (aggr='add'): out_i = lin_root(x_i) + lin_rel(sum_{j->i} x_j)
    msgs = jnp.take(x, src, axis=0)
    agg = jax.ops.segment_sum(msgs, dst, num_segments=N)
    h = agg @ W_rel.T + b_rel + x @ W_root.T
    # leaky_relu, default negative_slope=0.01
    h = jnp.where(h >= 0, h, 0.01 * h)
    # global_mean_pool over graphs in batch
    sums = jax.ops.segment_sum(h, batch, num_segments=G)
    counts = jax.ops.segment_sum(jnp.ones((N,), dtype=jnp.float32), batch, num_segments=G)
    pooled = sums / jnp.maximum(counts, 1.0)[:, None]
    out = pooled @ W_fc.T + b_fc
    return out

if __name__ == "__main__":
    import jax
    _d = setup_inputs()
    print(jax.jit(kernel)(*tuple(_d.values())))

</pallas_src>

<mosaic_0001>
#map = affine_map<(d0, d1) -> (0, 0)>
#map1 = affine_map<(d0, d1) -> (0, 0, 0, 0)>
#map2 = affine_map<(d0, d1) -> (0, 0, 0)>
module attributes {stable_mosaic.version = 14 : i64} {
  func.func @_sc_body(%arg0: i32, %arg1: i32, %arg2: memref<20000x128xf32, #tpu.memory_space<hbm>>, %arg3: memref<2x16x79x128xi32, #tpu.memory_space<hbm>>, %arg4: memref<16x79x128xi32, #tpu.memory_space<hbm>>, %arg5: memref<2x10240x128xf32, #tpu.memory_space<hbm>>, %arg6: memref<79x128xi32, #tpu.memory_space<vmem>>, %arg7: memref<79x128xi32, #tpu.memory_space<vmem>>, %arg8: memref<128x128xf32, #tpu.memory_space<vmem>>, %arg9: memref<10240x128xf32, #tpu.memory_space<vmem_shared>>, %arg10: memref<!tpu.dma_semaphore, #tpu.memory_space<semaphore_mem>>) attributes {dimension_semantics = [#tpu.dimension_semantics<core_parallel>, #tpu.dimension_semantics<subcore_parallel>], iteration_bounds = array<i64: 2, 16>, scalar_prefetch = 0 : i64, scratch_operands = 5 : i64, tpu.core_type = #tpu.core_type<sc_vector_subcore>, window_params = [{transform_indices = #map}, {transform_indices = #map1}, {transform_indices = #map2}, {transform_indices = #map2}]} {
    %scan3A = arith.constant 0 : i32
    %scan3A_0 = arith.constant 0 : i32
    %scan3A_1 = arith.constant 128 : i32
    %scan3A_2 = arith.addi %scan3A_0, %scan3A_1 : i32
    %scan3A_3 = arith.constant 1 : i32
    scf.for %scan3A_34 = %scan3A_0 to %scan3A_2 step %scan3A_3  : i32 {
      %broadcast_in_dim3A = arith.constant 0.000000e+00 : f32
      %broadcast_in_dim3A_35 = vector.broadcast %broadcast_in_dim3A : f32 to vector<16xf32>
      %swap3A = arith.index_cast %scan3A_34 : i32 to index
      %swap3A_36 = arith.constant 0 : index
      %swap3A_37 = tpu.vector_load %arg8[%swap3A, %swap3A_36] {strides = array<i32>} : memref<128x128xf32, #tpu.memory_space<vmem>>, vector<1x16xf32>,
      %swap3A_38 = vector.shape_cast %swap3A_37 : vector<1x16xf32> to vector<16xf32>
      %swap3A_39 = vector.shape_cast %broadcast_in_dim3A_35 : vector<16xf32> to vector<1x16xf32>
      tpu.vector_store %arg8[%swap3A, %swap3A_36], %swap3A_39 {strides = array<i32>} : memref<128x128xf32, #tpu.memory_space<vmem>>, vector<1x16xf32>,
      %broadcast_in_dim3A_40 = arith.constant 0.000000e+00 : f32
      %broadcast_in_dim3A_41 = vector.broadcast %broadcast_in_dim3A_40 : f32 to vector<16xf32>
      %swap3A_42 = arith.index_cast %scan3A_34 : i32 to index
      %swap3A_43 = arith.constant 16 : index
      %swap3A_44 = tpu.vector_load %arg8[%swap3A_42, %swap3A_43] {strides = array<i32>} : memref<128x128xf32, #tpu.memory_space<vmem>>, vector<1x16xf32>,
      %swap3A_45 = vector.shape_cast %swap3A_44 : vector<1x16xf32> to vector<16xf32>
      %swap3A_46 = vector.shape_cast %broadcast_in_dim3A_41 : vector<16xf32> to vector<1x16xf32>
      tpu.vector_store %arg8[%swap3A_42, %swap3A_43], %swap3A_46 {strides = array<i32>} : memref<128x128xf32, #tpu.memory_space<vmem>>, vector<1x16xf32>,
      %broadcast_in_dim3A_47 = arith.constant 0.000000e+00 : f32
      %broadcast_in_dim3A_48 = vector.broadcast %broadcast_in_dim3A_47 : f32 to vector<16xf32>
      %swap3A_49 = arith.index_cast %scan3A_34 : i32 to index
      %swap3A_50 = arith.constant 32 : index
      %swap3A_51 = tpu.vector_load %arg8[%swap3A_49, %swap3A_50] {strides = array<i32>} : memref<128x128xf32, #tpu.memory_space<vmem>>, vector<1x16xf32>,
      %swap3A_52 = vector.shape_cast %swap3A_51 : vector<1x16xf32> to vector<16xf32>
      %swap3A_53 = vector.shape_cast %broadcast_in_dim3A_48 : vector<16xf32> to vector<1x16xf32>
      tpu.vector_store %arg8[%swap3A_49, %swap3A_50], %swap3A_53 {strides = array<i32>} : memref<128x128xf32, #tpu.memory_space<vmem>>, vector<1x16xf32>,
      %broadcast_in_dim3A_54 = arith.constant 0.000000e+00 : f32
      %broadcast_in_dim3A_55 = vector.broadcast %broadcast_in_dim3A_54 : f32 to vector<16xf32>
      %swap3A_56 = arith.index_cast %scan3A_34 : i32 to index
      %swap3A_57 = arith.constant 48 : index
      %swap3A_58 = tpu.vector_load %arg8[%swap3A_56, %swap3A_57] {strides = array<i32>} : memref<128x128xf32, #tpu.memory_space<vmem>>, vector<1x16xf32>,
      %swap3A_59 = vector.shape_cast %swap3A_58 : vector<1x16xf32> to vector<16xf32>
      %swap3A_60 = vector.shape_cast %broadcast_in_dim3A_55 : vector<16xf32> to vector<1x16xf32>
      tpu.vector_store %arg8[%swap3A_56, %swap3A_57], %swap3A_60 {strides = array<i32>} : memref<128x128xf32, #tpu.memory_space<vmem>>, vector<1x16xf32>,
      %broadcast_in_dim3A_61 = arith.constant 0.000000e+00 : f32
      %broadcast_in_dim3A_62 = vector.broadcast %broadcast_in_dim3A_61 : f32 to vector<16xf32>
      %swap3A_63 = arith.index_cast %scan3A_34 : i32 to index
      %swap3A_64 = arith.constant 64 : index
      %swap3A_65 = tpu.vector_load %arg8[%swap3A_63, %swap3A_64] {strides = array<i32>} : memref<128x128xf32, #tpu.memory_space<vmem>>, vector<1x16xf32>,
      %swap3A_66 = vector.shape_cast %swap3A_65 : vector<1x16xf32> to vector<16xf32>
      %swap3A_67 = vector.shape_cast %broadcast_in_dim3A_62 : vector<16xf32> to vector<1x16xf32>
      tpu.vector_store %arg8[%swap3A_63, %swap3A_64], %swap3A_67 {strides = array<i32>} : memref<128x128xf32, #tpu.memory_space<vmem>>, vector<1x16xf32>,
      %broadcast_in_dim3A_68 = arith.constant 0.000000e+00 : f32
      %broadcast_in_dim3A_69 = vector.broadcast %broadcast_in_dim3A_68 : f32 to vector<16xf32>
      %swap3A_70 = arith.index_cast %scan3A_34 : i32 to index
      %swap3A_71 = arith.constant 80 : index
      %swap3A_72 = tpu.vector_load %arg8[%swap3A_70, %swap3A_71] {strides = array<i32>} : memref<128x128xf32, #tpu.memory_space<vmem>>, vector<1x16xf32>,
      %swap3A_73 = vector.shape_cast %swap3A_72 : vector<1x16xf32> to vector<16xf32>
      %swap3A_74 = vector.shape_cast %broadcast_in_dim3A_69 : vector<16xf32> to vector<1x16xf32>
      tpu.vector_store %arg8[%swap3A_70, %swap3A_71], %swap3A_74 {strides = array<i32>} : memref<128x128xf32, #tpu.memory_space<vmem>>, vector<1x16xf32>,
      %broadcast_in_dim3A_75 = arith.constant 0.000000e+00 : f32
      %broadcast_in_dim3A_76 = vector.broadcast %broadcast_in_dim3A_75 : f32 to vector<16xf32>
      %swap3A_77 = arith.index_cast %scan3A_34 : i32 to index
      %swap3A_78 = arith.constant 96 : index
      %swap3A_79 = tpu.vector_load %arg8[%swap3A_77, %swap3A_78] {strides = array<i32>} : memref<128x128xf32, #tpu.memory_space<vmem>>, vector<1x16xf32>,
      %swap3A_80 = vector.shape_cast %swap3A_79 : vector<1x16xf32> to vector<16xf32>
      %swap3A_81 = vector.shape_cast %broadcast_in_dim3A_76 : vector<16xf32> to vector<1x16xf32>
      tpu.vector_store %arg8[%swap3A_77, %swap3A_78], %swap3A_81 {strides = array<i32>} : memref<128x128xf32, #tpu.memory_space<vmem>>, vector<1x16xf32>,
      %broadcast_in_dim3A_82 = arith.constant 0.000000e+00 : f32
      %broadcast_in_dim3A_83 = vector.broadcast %broadcast_in_dim3A_82 : f32 to vector<16xf32>
      %swap3A_84 = arith.index_cast %scan3A_34 : i32 to index
      %swap3A_85 = arith.constant 112 : index
      %swap3A_86 = tpu.vector_load %arg8[%swap3A_84, %swap3A_85] {strides = array<i32>} : memref<128x128xf32, #tpu.memory_space<vmem>>, vector<1x16xf32>,
      %swap3A_87 = vector.shape_cast %swap3A_86 : vector<1x16xf32> to vector<16xf32>
      %swap3A_88 = vector.shape_cast %broadcast_in_dim3A_83 : vector<16xf32> to vector<1x16xf32>
      tpu.vector_store %arg8[%swap3A_84, %swap3A_85], %swap3A_88 {strides = array<i32>} : memref<128x128xf32, #tpu.memory_space<vmem>>, vector<1x16xf32>,
    }
    %scan3A_4 = arith.constant 128 : i32
    %mul3A = arith.constant 640 : i32
    %mul3A_5 = arith.muli %arg1, %mul3A : i32
    %add3A = arith.constant 0 : i32
    %add3A_6 = arith.addi %mul3A_5, %add3A : i32
    "tpu.region"() ({
      %run_scoped3A = tpu.sem_alloc : memref<!tpu.dma_semaphore, #tpu.memory_space<semaphore_mem>>
      %dma_start3A = arith.constant 0 : i32
      %dma_start3A_34 = tpu.memref_slice %arg9[%add3A_6, %dma_start3A] : memref<10240x128xf32, #tpu.memory_space<vmem_shared>> -> memref<128x128xf32, #tpu.memory_space<vmem_shared>>
      %dma_start3A_35 = arith.constant 0 : i32
      %dma_start3A_36 = tpu.memref_slice %arg9[%add3A_6, %dma_start3A_35] : memref<10240x128xf32, #tpu.memory_space<vmem_shared>> -> memref<128x128xf32, #tpu.memory_space<vmem_shared>>
      tpu.enqueue_dma source(%arg8 : memref<128x128xf32, #tpu.memory_space<vmem>>) target(%dma_start3A_36 : memref<128x128xf32, #tpu.memory_space<vmem_shared>>) target_semaphore(%run_scoped3A : memref<!tpu.dma_semaphore, #tpu.memory_space<semaphore_mem>>)
      %dma_wait3A = arith.constant 0 : i32
      %dma_wait3A_37 = tpu.memref_slice %arg9[%add3A_6, %dma_wait3A] : memref<10240x128xf32, #tpu.memory_space<vmem_shared>> -> memref<128x128xf32, #tpu.memory_space<vmem_shared>>
      %dma_wait3A_38 = arith.constant 0 : i32
      %dma_wait3A_39 = tpu.memref_slice %arg9[%add3A_6, %dma_wait3A_38] : memref<10240x128xf32, #tpu.memory_space<vmem_shared>> -> memref<128x128xf32, #tpu.memory_space<vmem_shared>>
      tpu.wait_dma2 semaphore(%run_scoped3A : memref<!tpu.dma_semaphore, #tpu.memory_space<semaphore_mem>>) src(%arg8 : memref<128x128xf32, #tpu.memory_space<vmem>>) dst(%dma_wait3A_39 : memref<128x128xf32, #tpu.memory_space<vmem_shared>>)
      tpu.yield
    }) : () -> ()
    %mul3A_7 = arith.constant 640 : i32
    %mul3A_8 = arith.muli %arg1, %mul3A_7 : i32
    %add3A_9 = arith.constant 128 : i32
    %add3A_10 = arith.addi %mul3A_8, %add3A_9 : i32
    "tpu.region"() ({
      %run_scoped3A = tpu.sem_alloc : memref<!tpu.dma_semaphore, #tpu.memory_space<semaphore_mem>>
      %dma_start3A = arith.constant 0 : i32
      %dma_start3A_34 = tpu.memref_slice %arg9[%add3A_10, %dma_start3A] : memref<10240x128xf32, #tpu.memory_space<vmem_shared>> -> memref<128x128xf32, #tpu.memory_space<vmem_shared>>
      %dma_start3A_35 = arith.constant 0 : i32
      %dma_start3A_36 = tpu.memref_slice %arg9[%add3A_10, %dma_start3A_35] : memref<10240x128xf32, #tpu.memory_space<vmem_shared>> -> memref<128x128xf32, #tpu.memory_space<vmem_shared>>
      tpu.enqueue_dma source(%arg8 : memref<128x128xf32, #tpu.memory_space<vmem>>) target(%dma_start3A_36 : memref<128x128xf32, #tpu.memory_space<vmem_shared>>) target_semaphore(%run_scoped3A : memref<!tpu.dma_semaphore, #tpu.memory_space<semaphore_mem>>)
      %dma_wait3A = arith.constant 0 : i32
      %dma_wait3A_37 = tpu.memref_slice %arg9[%add3A_10, %dma_wait3A] : memref<10240x128xf32, #tpu.memory_space<vmem_shared>> -> memref<128x128xf32, #tpu.memory_space<vmem_shared>>
      %dma_wait3A_38 = arith.constant 0 : i32
      %dma_wait3A_39 = tpu.memref_slice %arg9[%add3A_10, %dma_wait3A_38] : memref<10240x128xf32, #tpu.memory_space<vmem_shared>> -> memref<128x128xf32, #tpu.memory_space<vmem_shared>>
      tpu.wait_dma2 semaphore(%run_scoped3A : memref<!tpu.dma_semaphore, #tpu.memory_space<semaphore_mem>>) src(%arg8 : memref<128x128xf32, #tpu.memory_space<vmem>>) dst(%dma_wait3A_39 : memref<128x128xf32, #tpu.memory_space<vmem_shared>>)
      tpu.yield
    }) : () -> ()
    %mul3A_11 = arith.constant 640 : i32
    %mul3A_12 = arith.muli %arg1, %mul3A_11 : i32
    %add3A_13 = arith.constant 256 : i32
    %add3A_14 = arith.addi %mul3A_12, %add3A_13 : i32
    "tpu.region"() ({
      %run_scoped3A = tpu.sem_alloc : memref<!tpu.dma_semaphore, #tpu.memory_space<semaphore_mem>>
      %dma_start3A = arith.constant 0 : i32
      %dma_start3A_34 = tpu.memref_slice %arg9[%add3A_14, %dma_start3A] : memref<10240x128xf32, #tpu.memory_space<vmem_shared>> -> memref<128x128xf32, #tpu.memory_space<vmem_shared>>
      %dma_start3A_35 = arith.constant 0 : i32
      %dma_start3A_36 = tpu.memref_slice %arg9[%add3A_14, %dma_start3A_35] : memref<10240x128xf32, #tpu.memory_space<vmem_shared>> -> memref<128x128xf32, #tpu.memory_space<vmem_shared>>
      tpu.enqueue_dma source(%arg8 : memref<128x128xf32, #tpu.memory_space<vmem>>) target(%dma_start3A_36 : memref<128x128xf32, #tpu.memory_space<vmem_shared>>) target_semaphore(%run_scoped3A : memref<!tpu.dma_semaphore, #tpu.memory_space<semaphore_mem>>)
      %dma_wait3A = arith.constant 0 : i32
      %dma_wait3A_37 = tpu.memref_slice %arg9[%add3A_14, %dma_wait3A] : memref<10240x128xf32, #tpu.memory_space<vmem_shared>> -> memref<128x128xf32, #tpu.memory_space<vmem_shared>>
      %dma_wait3A_38 = arith.constant 0 : i32
      %dma_wait3A_39 = tpu.memref_slice %arg9[%add3A_14, %dma_wait3A_38] : memref<10240x128xf32, #tpu.memory_space<vmem_shared>> -> memref<128x128xf32, #tpu.memory_space<vmem_shared>>
      tpu.wait_dma2 semaphore(%run_scoped3A : memref<!tpu.dma_semaphore, #tpu.memory_space<semaphore_mem>>) src(%arg8 : memref<128x128xf32, #tpu.memory_space<vmem>>) dst(%dma_wait3A_39 : memref<128x128xf32, #tpu.memory_space<vmem_shared>>)
      tpu.yield
    }) : () -> ()
    %mul3A_15 = arith.constant 640 : i32
    %mul3A_16 = arith.muli %arg1, %mul3A_15 : i32
    %add3A_17 = arith.constant 384 : i32
    %add3A_18 = arith.addi %mul3A_16, %add3A_17 : i32
    "tpu.region"() ({
      %run_scoped3A = tpu.sem_alloc : memref<!tpu.dma_semaphore, #tpu.memory_space<semaphore_mem>>
      %dma_start3A = arith.constant 0 : i32
      %dma_start3A_34 = tpu.memref_slice %arg9[%add3A_18, %dma_start3A] : memref<10240x128xf32, #tpu.memory_space<vmem_shared>> -> memref<128x128xf32, #tpu.memory_space<vmem_shared>>
      %dma_start3A_35 = arith.constant 0 : i32
      %dma_start3A_36 = tpu.memref_slice %arg9[%add3A_18, %dma_start3A_35] : memref<10240x128xf32, #tpu.memory_space<vmem_shared>> -> memref<128x128xf32, #tpu.memory_space<vmem_shared>>
      tpu.enqueue_dma source(%arg8 : memref<128x128xf32, #tpu.memory_space<vmem>>) target(%dma_start3A_36 : memref<128x128xf32, #tpu.memory_space<vmem_shared>>) target_semaphore(%run_scoped3A : memref<!tpu.dma_semaphore, #tpu.memory_space<semaphore_mem>>)
      %dma_wait3A = arith.constant 0 : i32
      %dma_wait3A_37 = tpu.memref_slice %arg9[%add3A_18, %dma_wait3A] : memref<10240x128xf32, #tpu.memory_space<vmem_shared>> -> memref<128x128xf32, #tpu.memory_space<vmem_shared>>
      %dma_wait3A_38 = arith.constant 0 : i32
      %dma_wait3A_39 = tpu.memref_slice %arg9[%add3A_18, %dma_wait3A_38] : memref<10240x128xf32, #tpu.memory_space<vmem_shared>> -> memref<128x128xf32, #tpu.memory_space<vmem_shared>>
      tpu.wait_dma2 semaphore(%run_scoped3A : memref<!tpu.dma_semaphore, #tpu.memory_space<semaphore_mem>>) src(%arg8 : memref<128x128xf32, #tpu.memory_space<vmem>>) dst(%dma_wait3A_39 : memref<128x128xf32, #tpu.memory_space<vmem_shared>>)
      tpu.yield
    }) : () -> ()
    %mul3A_19 = arith.constant 640 : i32
    %mul3A_20 = arith.muli %arg1, %mul3A_19 : i32
    %add3A_21 = arith.constant 512 : i32
    %add3A_22 = arith.addi %mul3A_20, %add3A_21 : i32
    "tpu.region"() ({
      %run_scoped3A = tpu.sem_alloc : memref<!tpu.dma_semaphore, #tpu.memory_space<semaphore_mem>>
      %dma_start3A = arith.constant 0 : i32
      %dma_start3A_34 = tpu.memref_slice %arg9[%add3A_22, %dma_start3A] : memref<10240x128xf32, #tpu.memory_space<vmem_shared>> -> memref<128x128xf32, #tpu.memory_space<vmem_shared>>
      %dma_start3A_35 = arith.constant 0 : i32
      %dma_start3A_36 = tpu.memref_slice %arg9[%add3A_22, %dma_start3A_35] : memref<10240x128xf32, #tpu.memory_space<vmem_shared>> -> memref<128x128xf32, #tpu.memory_space<vmem_shared>>
      tpu.enqueue_dma source(%arg8 : memref<128x128xf32, #tpu.memory_space<vmem>>) target(%dma_start3A_36 : memref<128x128xf32, #tpu.memory_space<vmem_shared>>) target_semaphore(%run_scoped3A : memref<!tpu.dma_semaphore, #tpu.memory_space<semaphore_mem>>)
      %dma_wait3A = arith.constant 0 : i32
      %dma_wait3A_37 = tpu.memref_slice %arg9[%add3A_22, %dma_wait3A] : memref<10240x128xf32, #tpu.memory_space<vmem_shared>> -> memref<128x128xf32, #tpu.memory_space<vmem_shared>>
      %dma_wait3A_38 = arith.constant 0 : i32
      %dma_wait3A_39 = tpu.memref_slice %arg9[%add3A_22, %dma_wait3A_38] : memref<10240x128xf32, #tpu.memory_space<vmem_shared>> -> memref<128x128xf32, #tpu.memory_space<vmem_shared>>
      tpu.wait_dma2 semaphore(%run_scoped3A : memref<!tpu.dma_semaphore, #tpu.memory_space<semaphore_mem>>) src(%arg8 : memref<128x128xf32, #tpu.memory_space<vmem>>) dst(%dma_wait3A_39 : memref<128x128xf32, #tpu.memory_space<vmem_shared>>)
      tpu.yield
    }) : () -> ()
    "tpu.region"() ({
      %run_scoped3A = tpu.sem_alloc : memref<!tpu.dma_semaphore, #tpu.memory_space<semaphore_mem>>
      %dma_start3A = arith.constant 0 : i32
      %dma_start3A_34 = arith.constant 0 : i32
      %dma_start3A_35 = tpu.memref_slice %arg3[%arg0, %arg1, %dma_start3A, %dma_start3A_34] : memref<2x16x79x128xi32, #tpu.memory_space<hbm>> -> memref<1x1x79x128xi32, #tpu.memory_space<hbm>>
      %dma_start3A_36 = tpu.memref_squeeze %dma_start3A_35 : memref<1x1x79x128xi32, #tpu.memory_space<hbm>> -> memref<79x128xi32, #tpu.memory_space<hbm>>
      %dma_start3A_37 = arith.constant 0 : i32
      %dma_start3A_38 = arith.constant 0 : i32
      %dma_start3A_39 = tpu.memref_slice %arg3[%arg0, %arg1, %dma_start3A_37, %dma_start3A_38] : memref<2x16x79x128xi32, #tpu.memory_space<hbm>> -> memref<1x1x79x128xi32, #tpu.memory_space<hbm>>
      %dma_start3A_40 = tpu.memref_squeeze %dma_start3A_39 : memref<1x1x79x128xi32, #tpu.memory_space<hbm>> -> memref<79x128xi32, #tpu.memory_space<hbm>>
      tpu.enqueue_dma source(%dma_start3A_40 : memref<79x128xi32, #tpu.memory_space<hbm>>) target(%arg6 : memref<79x128xi32, #tpu.memory_space<vmem>>) target_semaphore(%run_scoped3A : memref<!tpu.dma_semaphore, #tpu.memory_space<semaphore_mem>>)
      %dma_wait3A = arith.constant 0 : i32
      %dma_wait3A_41 = arith.constant 0 : i32
      %dma_wait3A_42 = tpu.memref_slice %arg3[%arg0, %arg1, %dma_wait3A, %dma_wait3A_41] : memref<2x16x79x128xi32, #tpu.memory_space<hbm>> -> memref<1x1x79x128xi32, #tpu.memory_space<hbm>>
      %dma_wait3A_43 = tpu.memref_squeeze %dma_wait3A_42 : memref<1x1x79x128xi32, #tpu.memory_space<hbm>> -> memref<79x128xi32, #tpu.memory_space<hbm>>
      %dma_wait3A_44 = arith.constant 0 : i32
      %dma_wait3A_45 = arith.constant 0 : i32
      %dma_wait3A_46 = tpu.memref_slice %arg3[%arg0, %arg1, %dma_wait3A_44, %dma_wait3A_45] : memref<2x16x79x128xi32, #tpu.memory_space<hbm>> -> memref<1x1x79x128xi32, #tpu.memory_space<hbm>>
      %dma_wait3A_47 = tpu.memref_squeeze %dma_wait3A_46 : memref<1x1x79x128xi32, #tpu.memory_space<hbm>> -> memref<79x128xi32, #tpu.memory_space<hbm>>
      tpu.wait_dma2 semaphore(%run_scoped3A : memref<!tpu.dma_semaphore, #tpu.memory_space<semaphore_mem>>) src(%dma_wait3A_47 : memref<79x128xi32, #tpu.memory_space<hbm>>) dst(%arg6 : memref<79x128xi32, #tpu.memory_space<vmem>>)
      tpu.yield
    }) : () -> ()
    "tpu.region"() ({
      %run_scoped3A = tpu.sem_alloc : memref<!tpu.dma_semaphore, #tpu.memory_space<semaphore_mem>>
      %dma_start3A = arith.constant 0 : i32
      %dma_start3A_34 = arith.constant 0 : i32
      %dma_start3A_35 = tpu.memref_slice %arg4[%arg1, %dma_start3A, %dma_start3A_34] : memref<16x79x128xi32, #tpu.memory_space<hbm>> -> memref<1x79x128xi32, #tpu.memory_space<hbm>>
      %dma_start3A_36 = tpu.memref_squeeze %dma_start3A_35 : memref<1x79x128xi32, #tpu.memory_space<hbm>> -> memref<79x128xi32, #tpu.memory_space<hbm>>
      %dma_start3A_37 = arith.constant 0 : i32
      %dma_start3A_38 = arith.constant 0 : i32
      %dma_start3A_39 = tpu.memref_slice %arg4[%arg1, %dma_start3A_37, %dma_start3A_38] : memref<16x79x128xi32, #tpu.memory_space<hbm>> -> memref<1x79x128xi32, #tpu.memory_space<hbm>>
      %dma_start3A_40 = tpu.memref_squeeze %dma_start3A_39 : memref<1x79x128xi32, #tpu.memory_space<hbm>> -> memref<79x128xi32, #tpu.memory_space<hbm>>
      tpu.enqueue_dma source(%dma_start3A_40 : memref<79x128xi32, #tpu.memory_space<hbm>>) target(%arg7 : memref<79x128xi32, #tpu.memory_space<vmem>>) target_semaphore(%run_scoped3A : memref<!tpu.dma_semaphore, #tpu.memory_space<semaphore_mem>>)
      %dma_wait3A = arith.constant 0 : i32
      %dma_wait3A_41 = arith.constant 0 : i32
      %dma_wait3A_42 = tpu.memref_slice %arg4[%arg1, %dma_wait3A, %dma_wait3A_41] : memref<16x79x128xi32, #tpu.memory_space<hbm>> -> memref<1x79x128xi32, #tpu.memory_space<hbm>>
      %dma_wait3A_43 = tpu.memref_squeeze %dma_wait3A_42 : memref<1x79x128xi32, #tpu.memory_space<hbm>> -> memref<79x128xi32, #tpu.memory_space<hbm>>
      %dma_wait3A_44 = arith.constant 0 : i32
      %dma_wait3A_45 = arith.constant 0 : i32
      %dma_wait3A_46 = tpu.memref_slice %arg4[%arg1, %dma_wait3A_44, %dma_wait3A_45] : memref<16x79x128xi32, #tpu.memory_space<hbm>> -> memref<1x79x128xi32, #tpu.memory_space<hbm>>
      %dma_wait3A_47 = tpu.memref_squeeze %dma_wait3A_46 : memref<1x79x128xi32, #tpu.memory_space<hbm>> -> memref<79x128xi32, #tpu.memory_space<hbm>>
      tpu.wait_dma2 semaphore(%run_scoped3A : memref<!tpu.dma_semaphore, #tpu.memory_space<semaphore_mem>>) src(%dma_wait3A_47 : memref<79x128xi32, #tpu.memory_space<hbm>>) dst(%arg7 : memref<79x128xi32, #tpu.memory_space<vmem>>)
      tpu.yield
    }) : () -> ()
    %barrier3A = arith.constant 0 : index
    tpu.barrier barrier_id(%barrier3A)
    %scan3A_23 = arith.constant 0 : i32
    %scan3A_24 = arith.constant 0 : i32
    %scan3A_25 = arith.constant 79 : i32
    %scan3A_26 = arith.addi %scan3A_24, %scan3A_25 : i32
    %scan3A_27 = arith.constant 1 : i32
    scf.for %scan3A_34 = %scan3A_24 to %scan3A_26 step %scan3A_27  : i32 {
      %dma_start3A = arith.constant 0 : i32
      %dma_start3A_35 = tpu.memref_slice %arg6[%scan3A_34, %dma_start3A] : memref<79x128xi32, #tpu.memory_space<vmem>> -> memref<1x128xi32, #tpu.memory_space<vmem>>
      %dma_start3A_36 = tpu.memref_squeeze %dma_start3A_35 : memref<1x128xi32, #tpu.memory_space<vmem>> -> memref<128xi32, #tpu.memory_space<vmem>>
      %dma_start3A_37 = arith.constant 0 : i32
      %dma_start3A_38 = arith.constant 0 : i32
      %dma_start3A_39 = tpu.memref_slice %arg2[%dma_start3A_37, %dma_start3A_38] : memref<20000x128xf32, #tpu.memory_space<hbm>> -> memref<20000x128xf32, #tpu.memory_space<hbm>>
      tpu.enqueue_indirect_dma source(%dma_start3A_39 : memref<20000x128xf32, #tpu.memory_space<hbm>>) target(%arg8 : memref<128x128xf32, #tpu.memory_space<vmem>>) offsets(%dma_start3A_36 : memref<128xi32, #tpu.memory_space<vmem>>) semaphore(%arg10 : memref<!tpu.dma_semaphore, #tpu.memory_space<semaphore_mem>>)
      %dma_wait3A = arith.constant 0 : i32
      %dma_wait3A_40 = tpu.memref_slice %arg6[%scan3A_34, %dma_wait3A] : memref<79x128xi32, #tpu.memory_space<vmem>> -> memref<1x128xi32, #tpu.memory_space<vmem>>
      %dma_wait3A_41 = tpu.memref_squeeze %dma_wait3A_40 : memref<1x128xi32, #tpu.memory_space<vmem>> -> memref<128xi32, #tpu.memory_space<vmem>>
      %dma_wait3A_42 = arith.constant 0 : i32
      %dma_wait3A_43 = arith.constant 0 : i32
      %dma_wait3A_44 = tpu.memref_slice %arg2[%dma_wait3A_42, %dma_wait3A_43] : memref<20000x128xf32, #tpu.memory_space<hbm>> -> memref<20000x128xf32, #tpu.memory_space<hbm>>
      tpu.wait_indirect_dma semaphore(%arg10 : memref<!tpu.dma_semaphore, #tpu.memory_space<semaphore_mem>>) src(%dma_wait3A_44 : memref<20000x128xf32, #tpu.memory_space<hbm>>) dst(%arg8 : memref<128x128xf32, #tpu.memory_space<vmem>>)
      "tpu.region"() ({
        %run_scoped3A = tpu.sem_alloc : memref<!tpu.dma_semaphore, #tpu.memory_space<semaphore_mem>>
        %dma_start3A_45 = arith.constant 0 : i32
        %dma_start3A_46 = tpu.memref_slice %arg7[%scan3A_34, %dma_start3A_45] : memref<79x128xi32, #tpu.memory_space<vmem>> -> memref<1x128xi32, #tpu.memory_space<vmem>>
        %dma_start3A_47 = tpu.memref_squeeze %dma_start3A_46 : memref<1x128xi32, #tpu.memory_space<vmem>> -> memref<128xi32, #tpu.memory_space<vmem>>
        %dma_start3A_48 = arith.constant 0 : i32
        %dma_start3A_49 = arith.constant 0 : i32
        %dma_start3A_50 = tpu.memref_slice %arg9[%dma_start3A_48, %dma_start3A_49] : memref<10240x128xf32, #tpu.memory_space<vmem_shared>> -> memref<10240x128xf32, #tpu.memory_space<vmem_shared>>
        tpu.enqueue_indirect_dma source(%arg8 : memref<128x128xf32, #tpu.memory_space<vmem>>) target(%dma_start3A_50 : memref<10240x128xf32, #tpu.memory_space<vmem_shared>>) offsets(%dma_start3A_47 : memref<128xi32, #tpu.memory_space<vmem>>) semaphore(%run_scoped3A : memref<!tpu.dma_semaphore, #tpu.memory_space<semaphore_mem>>) {add = true}
        %dma_wait3A_51 = arith.constant 0 : i32
        %dma_wait3A_52 = tpu.memref_slice %arg7[%scan3A_34, %dma_wait3A_51] : memref<79x128xi32, #tpu.memory_space<vmem>> -> memref<1x128xi32, #tpu.memory_space<vmem>>
        %dma_wait3A_53 = tpu.memref_squeeze %dma_wait3A_52 : memref<1x128xi32, #tpu.memory_space<vmem>> -> memref<128xi32, #tpu.memory_space<vmem>>
        %dma_wait3A_54 = arith.constant 0 : i32
        %dma_wait3A_55 = arith.constant 0 : i32
        %dma_wait3A_56 = tpu.memref_slice %arg9[%dma_wait3A_54, %dma_wait3A_55] : memref<10240x128xf32, #tpu.memory_space<vmem_shared>> -> memref<10240x128xf32, #tpu.memory_space<vmem_shared>>
        tpu.wait_indirect_dma semaphore(%run_scoped3A : memref<!tpu.dma_semaphore, #tpu.memory_space<semaphore_mem>>) src(%arg8 : memref<128x128xf32, #tpu.memory_space<vmem>>) dst(%dma_wait3A_56 : memref<10240x128xf32, #tpu.memory_space<vmem_shared>>)
        tpu.yield
      }) : () -> ()
    }
    %scan3A_28 = arith.constant 79 : i32
    %barrier3A_29 = arith.constant 0 : index
    tpu.barrier barrier_id(%barrier3A_29)
    %mul3A_30 = arith.constant 640 : i32
    %mul3A_31 = arith.muli %arg1, %mul3A_30 : i32
    %mul3A_32 = arith.constant 640 : i32
    %mul3A_33 = arith.muli %arg1, %mul3A_32 : i32
    "tpu.region"() ({
      %run_scoped3A = tpu.sem_alloc : memref<!tpu.dma_semaphore, #tpu.memory_space<semaphore_mem>>
      %dma_start3A = arith.constant 0 : i32
      %dma_start3A_34 = tpu.memref_slice %arg5[%arg0, %mul3A_33, %dma_start3A] : memref<2x10240x128xf32, #tpu.memory_space<hbm>> -> memref<1x640x128xf32, #tpu.memory_space<hbm>>
      %dma_start3A_35 = tpu.memref_squeeze %dma_start3A_34 : memref<1x640x128xf32, #tpu.memory_space<hbm>> -> memref<640x128xf32, #tpu.memory_space<hbm>>
      %dma_start3A_36 = arith.constant 0 : i32
      %dma_start3A_37 = tpu.memref_slice %arg9[%mul3A_31, %dma_start3A_36] : memref<10240x128xf32, #tpu.memory_space<vmem_shared>> -> memref<640x128xf32, #tpu.memory_space<vmem_shared>>
      tpu.enqueue_dma source(%dma_start3A_37 : memref<640x128xf32, #tpu.memory_space<vmem_shared>>) target(%dma_start3A_35 : memref<640x128xf32, #tpu.memory_space<hbm>>) target_semaphore(%run_scoped3A : memref<!tpu.dma_semaphore, #tpu.memory_space<semaphore_mem>>)
      %dma_wait3A = arith.constant 0 : i32
      %dma_wait3A_38 = tpu.memref_slice %arg5[%arg0, %mul3A_33, %dma_wait3A] : memref<2x10240x128xf32, #tpu.memory_space<hbm>> -> memref<1x640x128xf32, #tpu.memory_space<hbm>>
      %dma_wait3A_39 = tpu.memref_squeeze %dma_wait3A_38 : memref<1x640x128xf32, #tpu.memory_space<hbm>> -> memref<640x128xf32, #tpu.memory_space<hbm>>
      %dma_wait3A_40 = arith.constant 0 : i32
      %dma_wait3A_41 = tpu.memref_slice %arg9[%mul3A_31, %dma_wait3A_40] : memref<10240x128xf32, #tpu.memory_space<vmem_shared>> -> memref<640x128xf32, #tpu.memory_space<vmem_shared>>
      tpu.wait_dma2 semaphore(%run_scoped3A : memref<!tpu.dma_semaphore, #tpu.memory_space<semaphore_mem>>) src(%dma_wait3A_41 : memref<640x128xf32, #tpu.memory_space<vmem_shared>>) dst(%dma_wait3A_39 : memref<640x128xf32, #tpu.memory_space<hbm>>)
      tpu.yield
    }) : () -> ()
    return
  }
}

module attributes {stable_mosaic.version = 14 : i64} {
  func.func @_tc_body(%arg0: i32, %arg1: memref<1x1000x128xf32, #tpu.memory_space<vmem>>, %arg2: memref<1x1000x128xf32, #tpu.memory_space<vmem>>, %arg3: memref<1000x256xf32, #tpu.memory_space<vmem>>, %arg4: memref<1x1x1000xi32, #tpu.memory_space<vmem>>, %arg5: memref<128x256xf32, #tpu.memory_space<vmem>>, %arg6: memref<128x256xf32, #tpu.memory_space<vmem>>, %arg7: memref<256x256xf32, #tpu.memory_space<vmem>>, %arg8: memref<1x256xf32, #tpu.memory_space<vmem>>, %arg9: memref<256x32xf32, #tpu.memory_space<vmem>>, %arg10: memref<1x32xf32, #tpu.memory_space<vmem>>, %arg11: memref<64x32xf32, #tpu.memory_space<vmem>>, %arg12: memref<64x256xf32, #tpu.memory_space<vmem>>, %arg13: memref<64x128xf32, #tpu.memory_space<vmem>>) attributes {dimension_semantics = [#tpu.dimension_semantics<arbitrary>], iteration_bounds = array<i64: 10>, scalar_prefetch = 0 : i64, scratch_operands = 2 : i64, tpu.core_type = #tpu.core_type<tc>, window_params = [{transform_indices = @transform_0, window_bounds = array<i64: 1, 1000, 128>}, {transform_indices = @transform_1, window_bounds = array<i64: 1, 1000, 128>}, {transform_indices = @transform_2, window_bounds = array<i64: 1000, 256>}, {transform_indices = @transform_3, window_bounds = array<i64: 1, 1, 1000>}, {pipeline_mode = #tpu.pipeline_mode<synchronous>, transform_indices = @transform_4, window_bounds = array<i64: 128, 256>}, {pipeline_mode = #tpu.pipeline_mode<synchronous>, transform_indices = @transform_5, window_bounds = array<i64: 128, 256>}, {pipeline_mode = #tpu.pipeline_mode<synchronous>, transform_indices = @transform_6, window_bounds = array<i64: 256, 256>}, {pipeline_mode = #tpu.pipeline_mode<synchronous>, transform_indices = @transform_7, window_bounds = array<i64: 1, 256>}, {pipeline_mode = #tpu.pipeline_mode<synchronous>, transform_indices = @transform_8, window_bounds = array<i64: 256, 32>}, {pipeline_mode = #tpu.pipeline_mode<synchronous>, transform_indices = @transform_9, window_bounds = array<i64: 1, 32>}, {pipeline_mode = #tpu.pipeline_mode<synchronous>, transform_indices = @transform_10, window_bounds = array<i64: 64, 32>}]} {
    %eq3A = arith.constant 0 : i32
    %eq3A_0 = arith.cmpi eq, %arg0, %eq3A : i32
    %convert_element_type3A = arith.extui %eq3A_0 : i1 to i32
    %cond3A = arith.constant 0 : i32
    %cond3A_1 = arith.cmpi ne, %convert_element_type3A, %cond3A : i32
    scf.if %cond3A_1 {
      %broadcast_in_dim3A_70 = arith.constant 0.000000e+00 : f32
      %broadcast_in_dim3A_71 = vector.broadcast %broadcast_in_dim3A_70 : f32 to vector<64x256xf32>
      %swap3A_72 = arith.constant 0 : index
      %swap3A_73 = arith.constant 0 : index
      %swap3A_74 = vector.load %arg12[%swap3A_72, %swap3A_73] : memref<64x256xf32, #tpu.memory_space<vmem>>, vector<64x256xf32>
      tpu.vector_store %arg12[%swap3A_72, %swap3A_73], %broadcast_in_dim3A_71 {strides = array<i32>} : memref<64x256xf32, #tpu.memory_space<vmem>>, vector<64x256xf32>,
      %broadcast_in_dim3A_75 = arith.constant 0.000000e+00 : f32
      %broadcast_in_dim3A_76 = vector.broadcast %broadcast_in_dim3A_75 : f32 to vector<64x128xf32>
      %swap3A_77 = arith.constant 0 : index
      %swap3A_78 = arith.constant 0 : index
      %swap3A_79 = vector.load %arg13[%swap3A_77, %swap3A_78] : memref<64x128xf32, #tpu.memory_space<vmem>>, vector<64x128xf32>
      tpu.vector_store %arg13[%swap3A_77, %swap3A_78], %broadcast_in_dim3A_76 {strides = array<i32>} : memref<64x128xf32, #tpu.memory_space<vmem>>, vector<64x128xf32>,
    } else {
    }
    %get3A = arith.constant 0 : index
    %get3A_2 = arith.constant 0 : index
    %get3A_3 = arith.constant 0 : index
    %get3A_4 = vector.load %arg1[%get3A, %get3A_2, %get3A_3] : memref<1x1000x128xf32, #tpu.memory_space<vmem>>, vector<1x1000x128xf32>
    %get3A_5 = vector.shape_cast %get3A_4 : vector<1x1000x128xf32> to vector<1000x128xf32>
    %get3A_6 = arith.constant 0 : index
    %get3A_7 = arith.constant 0 : index
    %get3A_8 = vector.load %arg5[%get3A_6, %get3A_7] : memref<128x256xf32, #tpu.memory_space<vmem>>, vector<128x256xf32>
    %dot_general3A = arith.constant dense<0.000000e+00> : vector<1000x256xf32>
    %dot_general3A_9 = tpu.matmul %get3A_5, %get3A_8, %dot_general3A {dimension_numbers = #tpu.dot_dimension_numbers<[1], [0], [0], [1], [0, 0, 1, 1], [], []>, transpose_lhs_hint = false} : vector<1000x128xf32>, vector<128x256xf32>, vector<1000x256xf32> -> vector<1000x256xf32>
    %get3A_10 = arith.constant 0 : index
    %get3A_11 = arith.constant 0 : index
    %get3A_12 = arith.constant 0 : index
    %get3A_13 = vector.load %arg2[%get3A_10, %get3A_11, %get3A_12] : memref<1x1000x128xf32, #tpu.memory_space<vmem>>, vector<1x1000x128xf32>
    %get3A_14 = vector.shape_cast %get3A_13 : vector<1x1000x128xf32> to vector<1000x128xf32>
    %get3A_15 = arith.constant 0 : index
    %get3A_16 = arith.constant 0 : index
    %get3A_17 = vector.load %arg6[%get3A_15, %get3A_16] : memref<128x256xf32, #tpu.memory_space<vmem>>, vector<128x256xf32>
    %dot_general3A_18 = arith.constant dense<0.000000e+00> : vector<1000x256xf32>
    %dot_general3A_19 = tpu.matmul %get3A_14, %get3A_17, %dot_general3A_18 {dimension_numbers = #tpu.dot_dimension_numbers<[1], [0], [0], [1], [0, 0, 1, 1], [], []>, transpose_lhs_hint = false} : vector<1000x128xf32>, vector<128x256xf32>, vector<1000x256xf32> -> vector<1000x256xf32>
    %add3A = arith.addf %dot_general3A_9, %dot_general3A_19 : vector<1000x256xf32>
    %get3A_20 = arith.constant 0 : index
    %get3A_21 = arith.constant 0 : index
    %get3A_22 = vector.load %arg3[%get3A_20, %get3A_21] : memref<1000x256xf32, #tpu.memory_space<vmem>>, vector<1000x256xf32>
    %get3A_23 = arith.constant 0 : index
    %get3A_24 = arith.constant 0 : index
    %get3A_25 = vector.load %arg7[%get3A_23, %get3A_24] : memref<256x256xf32, #tpu.memory_space<vmem>>, vector<256x256xf32>
    %dot_general3A_26 = arith.constant dense<0.000000e+00> : vector<1000x256xf32>
    %dot_general3A_27 = tpu.matmul %get3A_22, %get3A_25, %dot_general3A_26 {dimension_numbers = #tpu.dot_dimension_numbers<[1], [0], [0], [1], [0, 0, 1, 1], [], []>, transpose_lhs_hint = false} : vector<1000x256xf32>, vector<256x256xf32>, vector<1000x256xf32> -> vector<1000x256xf32>
    %add3A_28 = arith.addf %add3A, %dot_general3A_27 : vector<1000x256xf32>
    %get3A_29 = arith.constant 0 : index
    %get3A_30 = arith.constant 0 : index
    %get3A_31 = vector.load %arg8[%get3A_29, %get3A_30] : memref<1x256xf32, #tpu.memory_space<vmem>>, vector<1x256xf32>
    %add3A_32 = vector.broadcast %get3A_31 : vector<1x256xf32> to vector<1000x256xf32>
    %add3A_33 = arith.addf %add3A_28, %add3A_32 : vector<1000x256xf32>
    %ge3A = arith.constant 0.000000e+00 : f32
    %ge3A_34 = vector.broadcast %ge3A : f32 to vector<1000x256xf32>
    %ge3A_35 = arith.cmpf oge, %add3A_33, %ge3A_34 : vector<1000x256xf32>
    %mul3A = arith.constant 0.00999999977 : f32
    %mul3A_36 = vector.broadcast %mul3A : f32 to vector<1000x256xf32>
    %mul3A_37 = arith.mulf %mul3A_36, %add3A_33 : vector<1000x256xf32>
    %select_n3A = arith.select %ge3A_35, %add3A_33, %mul3A_37 : vector<1000x256xi1>, vector<1000x256xf32>
    %get3A_38 = arith.constant 0 : index
    %get3A_39 = arith.constant 0 : index
    %get3A_40 = arith.constant 0 : index
    %get3A_41 = vector.load %arg4[%get3A_38, %get3A_39, %get3A_40] : memref<1x1x1000xi32, #tpu.memory_space<vmem>>, vector<1x1x1000xi32>
    %get3A_42 = vector.shape_cast %get3A_41 : vector<1x1x1000xi32> to vector<1000xi32>
    %iota3A = tpu.iota {dimensions = array<i32: 0>} : vector<64x1000xi32>
    %broadcast_in_dim3A = vector.shape_cast %get3A_42 : vector<1000xi32> to vector<1x1000xi32>
    %eq3A_43 = vector.broadcast %broadcast_in_dim3A : vector<1x1000xi32> to vector<64x1000xi32>
    %eq3A_44 = arith.cmpi eq, %eq3A_43, %iota3A : vector<64x1000xi32>
    %convert_element_type3A_45 = arith.extui %eq3A_44 : vector<64x1000xi1> to vector<64x1000xi32>
    %convert_element_type3A_46 = arith.sitofp %convert_element_type3A_45 : vector<64x1000xi32> to vector<64x1000xf32>
    %get3A_47 = arith.constant 0 : index
    %get3A_48 = arith.constant 0 : index
    %get3A_49 = vector.load %arg12[%get3A_47, %get3A_48] : memref<64x256xf32, #tpu.memory_space<vmem>>, vector<64x256xf32>
    %dot_general3A_50 = arith.constant dense<0.000000e+00> : vector<64x256xf32>
    %dot_general3A_51 = tpu.matmul %convert_element_type3A_46, %select_n3A, %dot_general3A_50 {dimension_numbers = #tpu.dot_dimension_numbers<[1], [0], [0], [1], [0, 0, 1, 1], [], []>, transpose_lhs_hint = false} : vector<64x1000xf32>, vector<1000x256xf32>, vector<64x256xf32> -> vector<64x256xf32>
    %add3A_52 = arith.addf %get3A_49, %dot_general3A_51 : vector<64x256xf32>
    %swap3A = arith.constant 0 : index
    %swap3A_53 = arith.constant 0 : index
    %swap3A_54 = vector.load %arg12[%swap3A, %swap3A_53] : memref<64x256xf32, #tpu.memory_space<vmem>>, vector<64x256xf32>
    tpu.vector_store %arg12[%swap3A, %swap3A_53], %add3A_52 {strides = array<i32>} : memref<64x256xf32, #tpu.memory_space<vmem>>, vector<64x256xf32>,
    %get3A_55 = arith.constant 0 : index
    %get3A_56 = arith.constant 0 : index
    %get3A_57 = vector.load %arg13[%get3A_55, %get3A_56] : memref<64x128xf32, #tpu.memory_space<vmem>>, vector<64x128xf32>
    %reduce_sum3A = arith.constant dense<0.000000e+00> : vector<64xf32>
    %reduce_sum3A_58 = vector.multi_reduction <add>, %convert_element_type3A_46, %reduce_sum3A [1] : vector<64x1000xf32> to vector<64xf32>
    %broadcast_in_dim3A_59 = vector.shape_cast %reduce_sum3A_58 : vector<64xf32> to vector<64x1xf32>
    %add3A_60 = vector.broadcast %broadcast_in_dim3A_59 : vector<64x1xf32> to vector<64x128xf32>
    %add3A_61 = arith.addf %get3A_57, %add3A_60 : vector<64x128xf32>
    %swap3A_62 = arith.constant 0 : index
    %swap3A_63 = arith.constant 0 : index
    %swap3A_64 = vector.load %arg13[%swap3A_62, %swap3A_63] : memref<64x128xf32, #tpu.memory_space<vmem>>, vector<64x128xf32>
    tpu.vector_store %arg13[%swap3A_62, %swap3A_63], %add3A_61 {strides = array<i32>} : memref<64x128xf32, #tpu.memory_space<vmem>>, vector<64x128xf32>,
    %eq3A_65 = arith.constant 9 : i32
    %eq3A_66 = arith.cmpi eq, %arg0, %eq3A_65 : i32
    %convert_element_type3A_67 = arith.extui %eq3A_66 : i1 to i32
    %cond3A_68 = arith.constant 0 : i32
    %cond3A_69 = arith.cmpi ne, %convert_element_type3A_67, %cond3A_68 : i32
    scf.if %cond3A_69 {
      %get3A_70 = arith.constant 0 : index
      %get3A_71 = arith.constant 0 : index
      %get3A_72 = vector.load %arg13[%get3A_70, %get3A_71] : memref<64x128xf32, #tpu.memory_space<vmem>>, vector<64x128xf32>
      %concatenate3A = tpu.concatenate %get3A_72, %get3A_72 in 1 : vector<64x128xf32>, vector<64x128xf32> -> vector<64x256xf32>
      %max3A = arith.constant 1.000000e+00 : f32
      %max3A_73 = vector.broadcast %max3A : f32 to vector<64x256xf32>
      %max3A_74 = arith.maximumf %concatenate3A, %max3A_73 : vector<64x256xf32>
      %get3A_75 = arith.constant 0 : index
      %get3A_76 = arith.constant 0 : index
      %get3A_77 = vector.load %arg12[%get3A_75, %get3A_76] : memref<64x256xf32, #tpu.memory_space<vmem>>, vector<64x256xf32>
      %div3A = arith.divf %get3A_77, %max3A_74 : vector<64x256xf32>
      %get3A_78 = arith.constant 0 : index
      %get3A_79 = arith.constant 0 : index
      %get3A_80 = vector.load %arg9[%get3A_78, %get3A_79] : memref<256x32xf32, #tpu.memory_space<vmem>>, vector<256x32xf32>
      %dot_general3A_81 = arith.constant dense<0.000000e+00> : vector<64x32xf32>
      %dot_general3A_82 = tpu.matmul %div3A, %get3A_80, %dot_general3A_81 {dimension_numbers = #tpu.dot_dimension_numbers<[1], [0], [0], [1], [0, 0, 1, 1], [], []>, transpose_lhs_hint = false} : vector<64x256xf32>, vector<256x32xf32>, vector<64x32xf32> -> vector<64x32xf32>
      %get3A_83 = arith.constant 0 : index
      %get3A_84 = arith.constant 0 : index
      %get3A_85 = vector.load %arg10[%get3A_83, %get3A_84] : memref<1x32xf32, #tpu.memory_space<vmem>>, vector<1x32xf32>
      %add3A_86 = vector.broadcast %get3A_85 : vector<1x32xf32> to vector<64x32xf32>
      %add3A_87 = arith.addf %dot_general3A_82, %add3A_86 : vector<64x32xf32>
      %swap3A_88 = arith.constant 0 : index
      %swap3A_89 = arith.constant 0 : index
      %swap3A_90 = vector.load %arg11[%swap3A_88, %swap3A_89] : memref<64x32xf32, #tpu.memory_space<vmem>>, vector<64x32xf32>
      tpu.vector_store %arg11[%swap3A_88, %swap3A_89], %add3A_87 {strides = array<i32>} : memref<64x32xf32, #tpu.memory_space<vmem>>, vector<64x32xf32>,
    } else {
    }
    return
  }
  func.func @transform_0(%arg0: i32) -> (i32, i32, i32) {
    %c0_i32 = arith.constant 0 : i32
    %c0_i32_0 = arith.constant 0 : i32
    %c0_i32_1 = arith.constant 0 : i32
    return %c0_i32, %arg0, %c0_i32_0 : i32, i32, i32
  }
  func.func @transform_1(%arg0: i32) -> (i32, i32, i32) {
    %c1_i32 = arith.constant 1 : i32
    %c0_i32 = arith.constant 0 : i32
    %c0_i32_0 = arith.constant 0 : i32
    return %c1_i32, %arg0, %c0_i32 : i32, i32, i32
  }
  func.func @transform_2(%arg0: i32) -> (i32, i32) {
    %c0_i32 = arith.constant 0 : i32
    %c0_i32_0 = arith.constant 0 : i32
    return %arg0, %c0_i32 : i32, i32
  }
  func.func @transform_3(%arg0: i32) -> (i32, i32, i32) {
    %c0_i32 = arith.constant 0 : i32
    %c0_i32_0 = arith.constant 0 : i32
    %c0_i32_1 = arith.constant 0 : i32
    return %arg0, %c0_i32, %c0_i32_0 : i32, i32, i32
  }
  func.func @transform_4(%arg0: i32) -> (i32, i32) {
    %c0_i32 = arith.constant 0 : i32
    %c0_i32_0 = arith.constant 0 : i32
    %c0_i32_1 = arith.constant 0 : i32
    return %c0_i32, %c0_i32_0 : i32, i32
  }
  func.func @transform_5(%arg0: i32) -> (i32, i32) {
    %c0_i32 = arith.constant 0 : i32
    %c0_i32_0 = arith.constant 0 : i32
    %c0_i32_1 = arith.constant 0 : i32
    return %c0_i32, %c0_i32_0 : i32, i32
  }
  func.func @transform_6(%arg0: i32) -> (i32, i32) {
    %c0_i32 = arith.constant 0 : i32
    %c0_i32_0 = arith.constant 0 : i32
    %c0_i32_1 = arith.constant 0 : i32
    return %c0_i32, %c0_i32_0 : i32, i32
  }
  func.func @transform_7(%arg0: i32) -> (i32, i32) {
    %c0_i32 = arith.constant 0 : i32
    %c0_i32_0 = arith.constant 0 : i32
    %c0_i32_1 = arith.constant 0 : i32
    return %c0_i32, %c0_i32_0 : i32, i32
  }
  func.func @transform_8(%arg0: i32) -> (i32, i32) {
    %c0_i32 = arith.constant 0 : i32
    %c0_i32_0 = arith.constant 0 : i32
    %c0_i32_1 = arith.constant 0 : i32
    return %c0_i32, %c0_i32_0 : i32, i32
  }
  func.func @transform_9(%arg0: i32) -> (i32, i32) {
    %c0_i32 = arith.constant 0 : i32
    %c0_i32_0 = arith.constant 0 : i32
    %c0_i32_1 = arith.constant 0 : i32
    return %c0_i32, %c0_i32_0 : i32, i32
  }
  func.func @transform_10(%arg0: i32) -> (i32, i32) {
    %c0_i32 = arith.constant 0 : i32
    %c0_i32_0 = arith.constant 0 : i32
    %c0_i32_1 = arith.constant 0 : i32
    return %c0_i32, %c0_i32_0 : i32, i32
  }
}

</mosaic_0001>

<sc_bundles>
// kernel: kernel.4.cloned.1.call-start
scs
__scs_entry_jumppad:
0x0: {  	(pc) =	sbr.rel $0x88, $3  }
0x1: {  	(tag) =	ssettag $0x0;
	lr =	simm.s32 $0x1  }
0x2: {  	[smem:$0x3F99] =	sst lr;
	_ =	strace $0xD0000000  }
0x3: {  	_ = 	snop  }
0x4: {  	_ = 	snop  }
0x5: {  	_ = 	snop  }
0x6: {  	_ = 	snop  }
0x7: {  	_ = 	snop  }
__scs_overlays_trampoline_lowered:
0x8: {  	[smem:$0x3FA8] =	sst s0  }
0x9: {  	[smem:$0x3FA9] =	sst s1  }
0xa: {  	[smem:$0x3FAA] =	sst s2  }
0xb: {  	[smem:$0x3FAB] =	sst s3  }
0xc: {  	[smem:$0x3FAC] =	sst s4  }
0xd: {  	[smem:$0x3FAD] =	sst s5  }
0xe: {  	[smem:$0x3FAE] =	sst s6  }
0xf: {  	[smem:$0x3FAF] =	sst s7  }
0x10: {  	[smem:$0x3FB0] =	sst s8  }
0x11: {  	[smem:$0x3FB1] =	sst s9;
	s0 =	simm.s32 @!p0 $0x0  }
0x12: {  	s1 =	sld [smem:$0x3F97];
	s0 =	simm.s32 @p0 $0x1  }
0x13: {  	[smem:$0x3FB2] =	sst s0;
	s0 =	simm.s32 @!p1 $0x0  }
0x14: {  	s2 =	sld [smem:$0x3F96];
	s0 =	simm.s32 @p1 $0x1  }
0x15: {  	[smem:$0x3FB3] =	sst s0;
	s0 =	simm.s32 @!p2 $0x0  }
0x16: {  	s3 =	sld [smem:$0x3FDB];
	s0 =	simm.s32 @p2 $0x1  }
0x17: {  	s4 =	simm.s32 $0x1BF5;
	[smem:$0x3FB5] =	sst s0  }
0x18: {  	s0 =	sld [smem:$0x3F98];
	_ =	swait.ge [sflag:s4], $0x0  }
0x19: {  	s7 =	sld [smem:$0x3F99]  }
0x1a: {  	s8 =	sadd.s32 $0xFFFFE003, lr  }
0x1b: {  	s9 =	sadd.s32 $0xFFFFFEF7, lr;
	s5 =	simm.s32 $0xFFFFFFFF;
	p2 =	slt.u32 s8, $0xFFFFF086  }
0x1c: {  	p1 =	slt.u32 s9, $0xF7A;
	s5 =	simm.s32 @!p2 $0x0  }
0x1d: {  	s5 =	simm.s32 @p1 $0x1;
	p0 =	seq.s32 s7, s2  }
0x1e: {  	s7 =	smul.u32 @!p0 $0xF7A, s2;
	p2 =	seq.s32 @!p0 s5, $0x0  }
0x1f: {  	s9 =	smul.u32 $0xF7A, s1;
	s8 =	simm.s32 @!p0 $0x1BF5;
	p2 =	por !p2, p0  }
0x20: {  	[sflag:s8] =	ssyncset.s32 @!p0 $0xFFFFF086;
	s6 =	sadd.s32 @!p0 s3, s7;
	s7 =	simm.s32 @!p0 $0x108  }
0x21: {  	s3 =	sadd.s32 s3, s9;
	s6 =	sadd.s32 @!p0 $0x88, s6;
	s7 =	simm.s32 @p2 $0x1082  }
0x22: {  	[simem:s7], [sflag:s8] =	dma.local @!p0 [hbm:s6], $0xF7A  }
0x23: {  	s9 =	sor.u32 $0xD0000000, s2;
	s6 =	simm.s32 $0x108;
	_ =	swait.ge @!p0 [sflag:s8], $0x0  }
0x24: {  	s3 =	sadd.s32 $0x88, s3;
	s6 =	simm.s32 @!p1 $0x1082;
	[sflag:s4] =	ssyncset.s32 $0xFFFFF086  }
0x25: {  	[simem:s6], [sflag:s4] =	dma.local [hbm:s3], $0xF7A  }
0x26: {  	[smem:$0x3F99] =	sst s1;
	(tag) =	ssettag s2;
	_ =	strace s9  }
0x27: {  	s1 =	sld [smem:$0x3FA9]  }
0x28: {  	s2 =	sld [smem:$0x3FAA]  }
0x29: {  	s4 =	sld [smem:$0x3FAC]  }
0x2a: {  	p0 =	seq.s32 s5, $0x0;
	s5 =	sld [smem:$0x3FAD]  }
0x2b: {  	s6 =	sld [smem:$0x3FAE]  }
0x2c: {  	s7 =	sld [smem:$0x3FAF]  }
0x2d: {  	s3 =	simm.s32 $0x108;
	s8 =	sld [smem:$0x3FB0]  }
0x2e: {  	s3 =	simm.s32 @!p0 $0x1082;
	s9 =	sld [smem:$0x3FB1]  }
0x2f: {  	lr =	sadd.s32 s0, s3;
	s0 =	sld [smem:$0x3FA8]  }
0x30: {  	s3 =	sld [smem:$0x3FAB]  }
0x31: {  	[smem:$0x3FB4] =	sst s10  }
0x32: {  	s10 =	sld [smem:$0x3FB2];
	_ =	sdelay $0x3  }
0x33: {  	p0 =	seq.s32 s10, $0x1;
	s10 =	sld [smem:$0x3FB4];
	_ =	sdelay $0x3  }
0x34: {  	[smem:$0x3FB4] =	sst s10  }
0x35: {  	s10 =	sld [smem:$0x3FB3];
	_ =	sdelay $0x3  }
0x36: {  	p1 =	seq.s32 s10, $0x1;
	s10 =	sld [smem:$0x3FB4];
	_ =	sdelay $0x3  }
0x37: {  	[smem:$0x3FB4] =	sst s10  }
0x38: {  	s10 =	sld [smem:$0x3FB5]  }
0x39: {  	_ = 	snop;
	(pc) =	sbr.ind lr, $3  }
0x3a: {  	_ = 	snop  }
0x3b: {  	_ = 	snop  }
0x3c: {  	p2 =	seq.s32 s10, $0x1;
	s10 =	sld [smem:$0x3FB4]  }
0x3d: {  	_ =	shalt  }
0x3e: {  	_ =	shalt  }
0x3f: {  	_ =	shalt  }
0x40: {  	_ =	shalt  }
0x41: {  	_ =	shalt  }
0x42: {  	_ =	shalt  }
0x43: {  	_ =	shalt  }
0x44: {  	_ =	shalt  }
0x45: {  	_ =	shalt  }
0x46: {  	_ =	shalt  }
0x47: {  	_ =	shalt  }
0x48: {  	_ =	shalt  }
0x49: {  	_ =	shalt  }
0x4a: {  	_ =	shalt  }
0x4b: {  	_ =	shalt  }
0x4c: {  	_ =	shalt  }
0x4d: {  	_ =	shalt  }
0x4e: {  	_ =	shalt  }
0x4f: {  	_ =	shalt  }
0x50: {  	_ =	shalt  }
0x51: {  	_ =	shalt  }
0x52: {  	_ =	shalt  }
0x53: {  	_ =	shalt  }
0x54: {  	_ =	shalt  }
0x55: {  	_ =	shalt  }
0x56: {  	_ =	shalt  }
0x57: {  	_ =	shalt  }
0x58: {  	_ =	shalt  }
0x59: {  	_ =	shalt  }
0x5a: {  	_ =	shalt  }
0x5b: {  	_ =	shalt  }
0x5c: {  	_ =	shalt  }
0x5d: {  	_ =	shalt  }
0x5e: {  	_ =	shalt  }
0x5f: {  	_ =	shalt  }
0x60: {  	_ =	shalt  }
0x61: {  	_ =	shalt  }
0x62: {  	_ =	shalt  }
0x63: {  	_ =	shalt  }
0x64: {  	_ =	shalt  }
0x65: {  	_ =	shalt  }
0x66: {  	_ =	shalt  }
0x67: {  	_ =	shalt  }
0x68: {  	_ =	shalt  }
0x69: {  	_ =	shalt  }
0x6a: {  	_ =	shalt  }
0x6b: {  	_ =	shalt  }
0x6c: {  	_ =	shalt  }
0x6d: {  	_ =	shalt  }
0x6e: {  	_ =	shalt  }
0x6f: {  	_ =	shalt  }
0x70: {  	_ =	shalt  }
0x71: {  	_ =	shalt  }
0x72: {  	_ =	shalt  }
0x73: {  	_ =	shalt  }
0x74: {  	_ =	shalt  }
0x75: {  	_ =	shalt  }
0x76: {  	_ =	shalt  }
0x77: {  	_ =	shalt  }
0x78: {  	_ =	shalt  }
0x79: {  	_ =	shalt  }
0x7a: {  	_ =	shalt  }
0x7b: {  	_ =	shalt  }
0x7c: {  	_ =	shalt  }
0x7d: {  	_ =	shalt  }
0x7e: {  	_ =	shalt  }
0x7f: {  	_ =	shalt  }
0x80: {  	_ =	shalt  }
0x81: {  	_ =	shalt  }
0x82: {  	_ =	shalt  }
0x83: {  	_ =	shalt  }
0x84: {  	_ =	shalt  }
0x85: {  	_ =	shalt  }
0x86: {  	_ =	shalt  }
0x87: {  	_ =	shalt  }
.Lfunc_end0:
.L_simem_size_0:
called_computation_lowered:
.L_overlay_start_0:
0x88: {  	s2 =	sld [smem:$0x3FD9]  }
0x89: {  	s3 =	sld [smem:$0x3FFE];
	_ =	sdelay $0x1  }
0x8a: {  	s1 =	srdreg.scid  }
0x8b: {  	s0 =	sand.u32 $0x1, s1  }
0x8c: {  	s16 =	sshll.u32 s0, $0xA;
	s2 =	sadd.s32 s3, s2  }
0x8d: {  	s2 =	sadd.s32 s2, s16  }
0x8e: {  	[smem:$0x3FC0] =	sst s2  }
0x8f: {  	_ = 	snop  }
0x90: {  	(tm) =	ssettm $0x1  }
0x91: {  	s17 =	sld [smem:$0x3FFB];
	_ =	sdelay $0x3  }
0x92: {  	_ =	strace s17  }
0x93: {  	s2 =	sld [smem:$0x3FFC];
	_ =	sdelay $0x3  }
0x94: {  	_ =	strace s2  }
0x95: {  	s2 =	sld [smem:$0x3FFD];
	_ =	sdelay $0x3  }
0x96: {  	_ =	strace s2  }
0x97: {  	_ =	strace $0x8FFFFFFF  }
0x98: {  	s18 =	sld [smem:$0x3FDB];
	_ =	sdelay $0x1  }
0x99: {  	s19 =	simm.s32 $_scs_section_size  }
0x9a: {  	s4 =	simm.s32 $_size__tile_overlayer_lowered;
	s5 =	simm.s32 $_tile_overlayer_lowered  }
0x9b: {  	s22 =	simm.s32 $0x1BFF;
	s21 =	sshll.u32 s5, $0x1;
	s2 =	sadd.s32 s19, s18  }
0x9c: {  	s6 =	simm.s32 $0x0;
	s20 =	sshll.u32 s4, $0x1;
	s4 =	sadd.s32 s21, s2  }
0x9d: {  	[timem:s6], [sflag:s22] =	dma.local [hbm:s4], s20  }
0x9e: {  	_ =	swait.ge [sflag:s22], s20  }
0x9f: {  	s3 =	ssub.s32 $0x0, s20;
	[sflag:s22] =	ssyncset.done $0x0  }
0xa0: {  	[sflag:s22] =	ssyncadd.s32 s3;
	_ =	sdelay $0x1  }
0xa1: {  	s23 =	simm.s32 $0x1B8B  }
0xa2: {  	_ =	swait.ge [sflag:s23], $0x1  }
0xa3: {  	[sflag:s23] =	ssyncset.done $0x0  }
0xa4: {  	s25 =	simm.s32 $0x1B8E;
	s24 =	sld [smem:$0x3FFE];
	[sflag:s23] =	ssyncadd.s32 $0xFFFFFFFF  }
0xa5: {  	s26 =	simm.s32 $execute0_lowered;
	[smem:$0x3FD2] =	sst s25  }
0xa6: {  	s4 =	sshll.u32 s26, $0x1;
	_ =	strace $0x80000046;
	[dreg:$0x1] =	wrdreg $0xFFFFFFFF  }
0xa7: {  	s28 =	simm.s32 $_size_execute0_lowered;
	s2 =	sadd.s32 s2, s4;
	[dreg:$0x0] =	wrdreg $0x0  }
0xa8: {  	s4 =	sshll.u32 s28, $0x1;
	[dreg:$0x2] =	wrdreg s2  }
0xa9: {  	[dreg:$0x3] =	wrdreg s4  }
0xaa: {  	[dreg:$0x4] =	wrdreg $0xC0  }
0xab: {  	_ =	task [dreg:s6], $0x5FFFF  }
0xac: {  	[dreg:$0x1] =	wrdreg $0xFFFFFFFF  }
0xad: {  	[dreg:$0x0] =	wrdreg $0x60  }
0xae: {  	[dreg:$0x2] =	wrdreg s24  }
0xaf: {  	[dreg:$0x3] =	wrdreg $0x90000  }
0xb0: {  	[dreg:$0x4] =	wrdreg $0x9  }
0xb1: {  	_ =	task.clear_ibuf [dreg:s6], $0x5FFFF;
	_ =	strace $0x90000046  }
0xb2: {  	s29 =	simm.s32 $0x9;
	_ =	strace $0x80000048  }
0xb3: {  	_ =	swait.ge [sflag:s29], $0x1  }
0xb4: {  	[sflag:s29] =	ssyncadd.s32 $0xFFFFFFFF  }
0xb5: {  	_ =	strace $0x90000048  }
0xb6: {  	_ =	sfence  }
0xb7: {  	s30 =	sld [smem:$0x0];
	_ =	sdelay $0x2  }
0xb8: {  	s31 =	sshll.u32 s1, $0xD;
	s1 =	sshrl.u32 s1, $0x2  }
0xb9: {  	s3 =	sand.u32 $0x4000, s31;
	s1 =	sadd.s32 s1, s30  }
0xba: {  	s0 =	sor.u32 s3, s0;
	s1 =	sshll.u32 s1, $0x11  }
0xbb: {  	s0 =	sor.u32 s1, s0  }
0xbc: {  	s0 =	sadd.s32 $0x8F2B, s0  }
0xbd: {  	[sflag:s0] =	ssyncadd.remote.s32 $0x1  }
0xbe: {  	_ =	sfence.sel $0xFFFF  }
0xbf: {  	[dreg:$0x0] =	wrdreg $0xFFFFFFFF;
	(pc) =	sbr.abs _section_cstart, $3  }
0xc0: {  	[dreg:$0x1] =	wrdreg $0xFFFFFFFF  }
0xc1: {  	_ =	task.clear_ibuf [dreg:s6], $0x2FFFF;
	_ =	strace $0x9FFFFFFF  }
0xc2: {  	(tm) =	ssettm $0x7FFFFFFF  }
0xc3: {  	_ =	shalt  }
tec
execute0_lowered:
.L_overlay_start_1:
0x0: {  	(tag) =	ssettag $0x1  }
0x1: {  	s6 =	rddreg [dreg:$0x0]  }
0x2: {  	s1 =	srdreg.scid;
	s0 =	stileid.u32  }
0x3: {  	s2 =	rddreg [dreg:$0x1];
	s4 =	smul.u32 $0x2800, s0  }
0x4: {  	s3 =	simm.s32 $0x0;
	s16 =	simm.s32 $0x2800;
	s9 =	smul.u32 $0x14000, s0  }
0x5: {  	s17 =	simm.s32 $0x80;
	s5 =	sand.u32 $0x1, s1;
	s11 =	smul.u32 $0x50000, s0  }
0x6: {  	s18 =	simm.s32 $0x1;
	s1 =	rddreg [dreg:$0x2];
	s7 =	smul.u32 $0x28000, s5  }
0x7: {  	[smem:$0x7FF] =	sst s3;
	s19 =	sshll.u32 s0, $0x6;
	s8 =	smul.u32 $0x140000, s5  }
0x8: {  	_ =	strace $0x80000047;
	s29 =	ssub.s32 $0x2, s5;
	s19 =	sor.u32 $0x1C02, s19  }
0x9: {  	s10 =	sshrl.u32 s4, $0x3;
	s30 =	sshrl.u32 s11, $0x2;
	s31 =	sshrl.u32 s29, $0x1  }
0xa: {  	s7 =	sadd.s32 s4, s7;
	s4 =	sadd.s32 $0x6000, s6;
	s13 =	sadd.s32 s10, s6  }
0xb: {  	s28 =	sadd.s32 s9, s8;
	s5 =	sadd.s32 s30, s2;
	s15 =	ssub.s32 s29, s31  }
0xc: {  	s7 =	sshrl.u32 s7, $0x3;
	s8 =	sadd.s32 $0xC000, s5;
	s9 =	sadd.s32 $0x10000, s5  }
0xd: {  	s11 =	sadd.s32 $0x1000, s13;
	s13 =	smax.u32 s15, $0x1;
	s15 =	simm.s32 $0x2  }
0xe: {  	s20 =	sshrl.u32 s5, $0x3;
	s12 =	sadd.s32 s7, s6;
	s7 =	sshrl.u32 s28, $0x3  }
0xf: {  	s14 =	sadd.s32 s7, s6;
	s6 =	sadd.s32 $0x4000, s5;
	s7 =	sadd.s32 $0x8000, s5  }
0x10: {  	v0 =	vimm.f32 $0.0e+00;
	s10 =	sadd.s32 $0x54200, s12;
	s12 =	sadd.s32 $0x5E200, s14;
	s14 =	simm.s32 $0x5000  }
.LBB2_1:
0x11: {  	s21 =	simm.s32 $0x0;
	s22 =	simm.s32 $0x200  }
.LBB2_2:
0x12: {  	p0 =	sne.s32 s22, $0xFE00;
	[tilespmem:s21+$0x5070] =	vst v0  }
0x13: {  	[tilespmem:s21+$0x5000] =	vst v0  }
0x14: {  	[tilespmem:s21+$0x5010] =	vst v0  }
.Ltmp0:
0x15: {  	[tilespmem:s21+$0x5020] =	vst v0;
	(pc) =	sbr.rel @p0 .LBB2_2-.Ltmp0, $4  }
0x16: {  	[tilespmem:s21+$0x5030] =	vst v0  }
0x17: {  	[tilespmem:s21+$0x5040] =	vst v0  }
0x18: {  	[tilespmem:s21+$0x5050] =	vst v0  }
0x19: {  	[tilespmem:s21+$0x5060] =	vst v0;
	s21 =	sshra.s32 s22, $0x2;
	s22 =	sadd.s32 $0x200, s22  }
0x1a: {  	[tilespmem:s21+$0x5070] =	vst v0  }
0x1b: {  	[tilespmem:s21+$0x5000] =	vst v0  }
0x1c: {  	[tilespmem:s21+$0x5010] =	vst v0  }
0x1d: {  	[tilespmem:s21+$0x5020] =	vst v0  }
0x1e: {  	[tilespmem:s21+$0x5030] =	vst v0  }
0x1f: {  	[tilespmem:s21+$0x5040] =	vst v0  }
0x20: {  	[tilespmem:s21+$0x5050] =	vst v0  }
0x21: {  	[tilespmem:s21+$0x5060] =	vst v0  }
0x22: {  	[spmem:s5] =	stream.linear.scatter [tilespmem:s14], [sflag:$0x2], $0x4000, $0x38;
	[tilespmem:$0x1D000] =	vst v63  }
0x23: {  	_ =	swait.ge [sflag:s15], $0x4000  }
0x24: {  	[sflag:s15] =	ssyncset.done $0x0  }
0x25: {  	[sflag:s15] =	ssyncadd.s32 $0xFFFFC000  }
0x26: {  	[spmem:s6] =	stream.linear.scatter [tilespmem:s14], [sflag:$0x2], $0x4000, $0x38;
	[tilespmem:$0x1D000] =	vst v63  }
0x27: {  	_ =	swait.ge [sflag:s15], $0x4000  }
0x28: {  	[sflag:s15] =	ssyncset.done $0x0  }
0x29: {  	[sflag:s15] =	ssyncadd.s32 $0xFFFFC000  }
0x2a: {  	[spmem:s7] =	stream.linear.scatter [tilespmem:s14], [sflag:$0x2], $0x4000, $0x38;
	[tilespmem:$0x1D000] =	vst v63  }
0x2b: {  	_ =	swait.ge [sflag:s15], $0x4000  }
0x2c: {  	[sflag:s15] =	ssyncset.done $0x0  }
0x2d: {  	[sflag:s15] =	ssyncadd.s32 $0xFFFFC000  }
0x2e: {  	[spmem:s8] =	stream.linear.scatter [tilespmem:s14], [sflag:$0x2], $0x4000, $0x38;
	[tilespmem:$0x1D000] =	vst v63  }
0x2f: {  	_ =	swait.ge [sflag:s15], $0x4000  }
0x30: {  	[sflag:s15] =	ssyncset.done $0x0  }
0x31: {  	[sflag:s15] =	ssyncadd.s32 $0xFFFFC000  }
0x32: {  	[spmem:s9] =	stream.linear.scatter [tilespmem:s14], [sflag:$0x2], $0x4000, $0x38;
	[tilespmem:$0x1D000] =	vst v63  }
0x33: {  	_ =	swait.ge [sflag:s15], $0x4000  }
0x34: {  	[sflag:s15] =	ssyncset.done $0x0  }
0x35: {  	s29 =	simm.s32 $0x0;
	[sflag:s15] =	ssyncadd.s32 $0xFFFFC000  }
0x36: {  	[tilespmem:s29], [sflag:$0x2] =	stream.linear.gather [hbm4b:s10+s29], $0x2780, $0x38;
	[tilespmem:$0x1D000] =	vst v63  }
0x37: {  	_ =	swait.ge [sflag:s15], $0x2780  }
0x38: {  	[sflag:s15] =	ssyncset.done $0x0  }
0x39: {  	[sflag:s15] =	ssyncadd.s32 $0xFFFFD880  }
0x3a: {  	[tilespmem:s16], [sflag:$0x2] =	stream.linear.gather [hbm4b:s11+s29], $0x2780, $0x38;
	[tilespmem:$0x1D000] =	vst v63  }
0x3b: {  	_ =	swait.ge [sflag:s15], $0x2780  }
0x3c: {  	[sflag:s15] =	ssyncset.done $0x0  }
0x3d: {  	[sflag:s15] =	ssyncadd.s32 $0xFFFFD880  }
0x3e: {  	s30 =	simm.s32 $0x0;
	[bflag:$0x0] =	sbarrier.arrive $0xFFFF  }
0x3f: {  	[tilespmem:s14], [sflag:$0x1] =	stream.indirect.gather [hbm4b:s4+s17], $0x80, s30, s17, $0xb8;
	[tilespmem:$0x1D000] =	vst v63  }
0x40: {  	_ =	swait.ge [sflag:s18], $0x4000  }
0x41: {  	[sflag:s18] =	ssyncset.done $0x0  }
0x42: {  	s31 =	simm.s32 $0x2800;
	[sflag:s18] =	ssyncadd.s32 $0xFFFFC000  }
0x43: {  	[spmem:s2] =	stream.indirect.scatter.add.f32 [tilespmem:s14], [sflag:$0x2], $0x80, s31, s17, $0xb8;
	[tilespmem:$0x1D000] =	vst v63  }
0x44: {  	_ =	swait.ge [sflag:s15], $0x4000  }
0x45: {  	s21 =	simm.s32 $0x200;
	s22 =	simm.s32 $0x400;
	[sflag:s15] =	ssyncset.done $0x0  }
.LBB2_4:
0x46: {  	s23 =	sshra.s32 s21, $0x2  }
0x47: {  	[sflag:s15] =	ssyncadd.s32 $0xFFFFC000;
	s21 =	smov.u32 s22;
	s24 =	sadd.s32 $0x200, s22  }
0x48: {  	[tilespmem:s14], [sflag:$0x1] =	stream.indirect.gather [hbm4b:s4+s17], $0x80, s23, s17, $0xb8;
	[tilespmem:$0x1D000] =	vst v63  }
0x49: {  	p0 =	sne.s32 s22, $0x9C00;
	_ =	swait.ge [sflag:s18], $0x4000  }
.Ltmp1:
0x4a: {  	[sflag:s18] =	ssyncset.done $0x0;
	(pc) =	sbr.rel @p0 .LBB2_4-.Ltmp1, $4  }
0x4b: {  	s22 =	sadd.s32 $0x2800, s23;
	[sflag:s18] =	ssyncadd.s32 $0xFFFFC000  }
0x4c: {  	[spmem:s2] =	stream.indirect.scatter.add.f32 [tilespmem:s14], [sflag:$0x2], $0x80, s22, s17, $0xb8;
	[tilespmem:$0x1D000] =	vst v63  }
0x4d: {  	_ =	swait.ge [sflag:s15], $0x4000  }
0x4e: {  	s22 =	smov.u32 s24;
	[sflag:s15] =	ssyncset.done $0x0  }
0x4f: {  	s21 =	sshra.s32 s21, $0x2;
	[sflag:s15] =	ssyncadd.s32 $0xFFFFC000  }
0x50: {  	[tilespmem:s14], [sflag:$0x1] =	stream.indirect.gather [hbm4b:s4+s17], $0x80, s21, s17, $0xb8;
	[tilespmem:$0x1D000] =	vst v63  }
0x51: {  	_ =	swait.ge [sflag:s18], $0x4000  }
0x52: {  	[sflag:s18] =	ssyncset.done $0x0  }
0x53: {  	s21 =	sadd.s32 $0x2800, s21;
	[sflag:s18] =	ssyncadd.s32 $0xFFFFC000  }
0x54: {  	[spmem:s2] =	stream.indirect.scatter.add.f32 [tilespmem:s14], [sflag:$0x2], $0x80, s21, s17, $0xb8;
	[tilespmem:$0x1D000] =	vst v63  }
0x55: {  	_ =	swait.ge [sflag:s15], $0x4000  }
0x56: {  	s3 =	sadd.s32 $0x1, s3;
	[sflag:s15] =	ssyncset.done $0x0  }
0x57: {  	p0 =	sne.s32 s3, s13;
	[sflag:s15] =	ssyncadd.s32 $0xFFFFC000  }
.Ltmp2:
0x58: {  	[bflag:$0x0] =	sbarrier.arrive $0xFFFF;
	(pc) =	sbr.rel @p0 .LBB2_1-.Ltmp2, $4  }
0x59: {  	[hbm:s12], [sflag:s19] =	dma.local [spmem:s20], $0x2800  }
0x5a: {  	_ =	swait.ge [sflag:s15], $0x2800  }
0x5b: {  	[sflag:s15] =	ssyncset.done $0x0  }
0x5c: {  	[sflag:s15] =	ssyncadd.s32 $0xFFFFD800  }
0x5d: {  	_ =	sfence.sel $0x180000  }
0x5e: {  	[bflag:$0x0] =	sbarrier.arrive $0xFFFF  }
0x5f: {  	p0 =	sne.s32 s0, $0x0;
	_ =	strace $0x90000047  }
0x60: {  	s0 =	sadd.s32 @!p0 $0x100000, s1;
	[bflag:$0x2] =	sbarrier.arrive $0xFFFF  }
0x61: {  	[sflag:s0] =	ssyncadd.tile.s32 @!p0 $0x1;
	_ =	shalt  }
.Lfunc_end2:
_tile_overlayer_lowered:
.L_overlay_start_2:
0x62: {  	(tag) =	ssettag $0x2  }
0x63: {  	s0 =	rddreg [dreg:$0x0];
	s2 =	stileid.u32  }
0x64: {  	s1 =	rddreg [dreg:$0x1];
	p0 =	sne.s32 s2, $0x0  }
0x65: {  	s3 =	rddreg [dreg:$0x2];
	[bflag:$0x3] =	sbarrier.arrive $0xFFFF;
	s2 =	simm.s32 @!p0 $0x1C02  }
0x66: {  	[timem:s3], [sflag:s2] =	dma.local @!p0 [hbm:s0], s1  }
0x67: {  	s0 =	simm.s32 @!p0 $0x2  }
0x68: {  	_ =	swait.ge @!p0 [sflag:s0], s1  }
0x69: {  	s1 =	ssub.s32 @!p0 $0x0, s1;
	[sflag:s0] =	ssyncset.done @!p0 $0x0  }
0x6a: {  	[sflag:s0] =	ssyncadd.s32 @!p0 s1  }
0x6b: {  	[bflag:$0x3] =	sbarrier.arrive $0xFFFF  }
0x6c: {  	_ =	shalt  }

</sc_bundles>
